<compile_context>
chip_gen: v7x
topology: tpu7x:2x2x1
jax: 0.10.2.dev20260603
libtpu: 0.0.44.dev20260713+nightly
codegen_flags: <defaults>
</compile_context>

<pallas_src>
import functools
import math

import jax
import jax.numpy as jnp
from jax import lax
from jax.experimental import pallas as pl
from jax.experimental.pallas import tpu as pltpu
from jax.experimental.pallas import tpu_sc as plsc

_VOCAB = 1000000
_D = 128
_B = 4
_S = 4096
_N = _B * _S
_SCALE = 1.0 / math.sqrt(float(_D))

_info = plsc.get_sparse_core_info()
_NC = _info.num_cores
_NS = _info.num_subcores
_L = _info.num_lanes
_NW = _NC * _NS
_BPW = _N // _NW

_mesh = plsc.VectorSubcoreMesh(core_axis_name="c", subcore_axis_name="s")


@functools.partial(
    pl.kernel,
    mesh=_mesh,
    out_type=jax.ShapeDtypeStruct((_N, _D), jnp.float32),
    scratch_types=[
        pltpu.VMEM((_BPW,), jnp.int32),
        pltpu.VMEM((_BPW, _D), jnp.float32),
        pltpu.SemaphoreType.DMA,
    ],
)
def _emb_lookup(table_hbm, idx_hbm, out_hbm, idx_v, rows_v, sem):
    wid = lax.axis_index("s") * _NC + lax.axis_index("c")
    base = wid * _BPW
    pltpu.sync_copy(idx_hbm.at[pl.ds(base, _BPW)], idx_v)
    pltpu.async_copy(table_hbm.at[idx_v], rows_v, sem).wait()

    def scale_row(i, _):
        for c in range(_D // _L):
            sl = pl.ds(c * _L, _L)
            rows_v[i, sl] = rows_v[i, sl] * _SCALE
        return 0

    lax.fori_loop(0, _BPW, scale_row, 0)
    pltpu.sync_copy(rows_v, out_hbm.at[pl.ds(base, _BPW)])


def kernel(x, table):
    idx = x.reshape(-1).astype(jnp.int32)
    out = _emb_lookup(table, idx)
    return out.reshape(_B, _S, _D)

# --- scband reference (transcript-rebuilt; emitter-appended) ---
"""Pipeline reference for scband-embedding-59339268161889 (READ-ONLY COPY).

The authoritative reference and input builder live on the scoring server;
editing this copy changes nothing except your own understanding.
"""

import jax, jax.numpy as jnp
import numpy as np
import math

VOCAB_SIZE = 1000000
D_MODEL = 128
BATCH = 4
SEQ_LEN = 4096

def setup_inputs(seed: int = 0) -> dict:
    key = jax.random.key(seed)
    k1, k2 = jax.random.split(key)
    x = jax.random.randint(k1, (BATCH, SEQ_LEN), 0, VOCAB_SIZE, dtype=jnp.int64) if jax.config.jax_enable_x64 else jax.random.randint(k1, (BATCH, SEQ_LEN), 0, VOCAB_SIZE, dtype=jnp.int32)
    table = jax.random.normal(k2, (VOCAB_SIZE, D_MODEL), dtype=jnp.float32)
    return {"x": x, "table": table}

def reference(x, table):
    # Faithful translation: embedding lookup then scale by 1/sqrt(d_model)
    emb = jnp.take(table, x, axis=0)  # (B, S, d_model)
    d_model_tensor = jnp.asarray(D_MODEL, dtype=jnp.float32)
    return emb / jnp.sqrt(d_model_tensor)

if __name__ == "__main__":
    import jax
    _d = setup_inputs()
    print(jax.jit(kernel)(*tuple(_d.values())))

</pallas_src>

<mosaic_0001>
#map = affine_map<(d0, d1) -> (0, 0)>
#map1 = affine_map<(d0, d1) -> (0)>
module attributes {stable_mosaic.version = 14 : i64} {
  func.func @_emb_lookup(%arg0: i32, %arg1: i32, %arg2: memref<1000000x128xf32, #tpu.memory_space<hbm>>, %arg3: memref<16384xi32, #tpu.memory_space<hbm>>, %arg4: memref<16384x128xf32, #tpu.memory_space<hbm>>, %arg5: memref<512xi32, #tpu.memory_space<vmem>>, %arg6: memref<512x128xf32, #tpu.memory_space<vmem>>, %arg7: memref<!tpu.dma_semaphore, #tpu.memory_space<semaphore_mem>>) attributes {dimension_semantics = [#tpu.dimension_semantics<core_parallel>, #tpu.dimension_semantics<subcore_parallel>], iteration_bounds = array<i64: 2, 16>, scalar_prefetch = 0 : i64, scratch_operands = 3 : i64, tpu.core_type = #tpu.core_type<sc_vector_subcore>, window_params = [{transform_indices = #map}, {transform_indices = #map1}, {transform_indices = #map}]} {
    %mul3A = arith.constant 2 : i32
    %mul3A_0 = arith.muli %arg1, %mul3A : i32
    %add3A = arith.addi %mul3A_0, %arg0 : i32
    %mul3A_1 = arith.constant 512 : i32
    %mul3A_2 = arith.muli %add3A, %mul3A_1 : i32
    "tpu.region"() ({
      %run_scoped3A = tpu.sem_alloc : memref<!tpu.dma_semaphore, #tpu.memory_space<semaphore_mem>>
      %dma_start3A_13 = tpu.memref_slice %arg3[%mul3A_2] : memref<16384xi32, #tpu.memory_space<hbm>> -> memref<512xi32, #tpu.memory_space<hbm>>
      %dma_start3A_14 = tpu.memref_slice %arg3[%mul3A_2] : memref<16384xi32, #tpu.memory_space<hbm>> -> memref<512xi32, #tpu.memory_space<hbm>>
      tpu.enqueue_dma source(%dma_start3A_14 : memref<512xi32, #tpu.memory_space<hbm>>) target(%arg5 : memref<512xi32, #tpu.memory_space<vmem>>) target_semaphore(%run_scoped3A : memref<!tpu.dma_semaphore, #tpu.memory_space<semaphore_mem>>)
      %dma_wait3A_15 = tpu.memref_slice %arg3[%mul3A_2] : memref<16384xi32, #tpu.memory_space<hbm>> -> memref<512xi32, #tpu.memory_space<hbm>>
      %dma_wait3A_16 = tpu.memref_slice %arg3[%mul3A_2] : memref<16384xi32, #tpu.memory_space<hbm>> -> memref<512xi32, #tpu.memory_space<hbm>>
      tpu.wait_dma2 semaphore(%run_scoped3A : memref<!tpu.dma_semaphore, #tpu.memory_space<semaphore_mem>>) src(%dma_wait3A_16 : memref<512xi32, #tpu.memory_space<hbm>>) dst(%arg5 : memref<512xi32, #tpu.memory_space<vmem>>)
      tpu.yield
    }) : () -> ()
    %dma_start3A = arith.constant 0 : i32
    %dma_start3A_3 = arith.constant 0 : i32
    %dma_start3A_4 = tpu.memref_slice %arg2[%dma_start3A, %dma_start3A_3] : memref<1000000x128xf32, #tpu.memory_space<hbm>> -> memref<1000000x128xf32, #tpu.memory_space<hbm>>
    tpu.enqueue_indirect_dma source(%dma_start3A_4 : memref<1000000x128xf32, #tpu.memory_space<hbm>>) target(%arg6 : memref<512x128xf32, #tpu.memory_space<vmem>>) offsets(%arg5 : memref<512xi32, #tpu.memory_space<vmem>>) semaphore(%arg7 : memref<!tpu.dma_semaphore, #tpu.memory_space<semaphore_mem>>)
    %dma_wait3A = arith.constant 0 : i32
    %dma_wait3A_5 = arith.constant 0 : i32
    %dma_wait3A_6 = tpu.memref_slice %arg2[%dma_wait3A, %dma_wait3A_5] : memref<1000000x128xf32, #tpu.memory_space<hbm>> -> memref<1000000x128xf32, #tpu.memory_space<hbm>>
    tpu.wait_indirect_dma semaphore(%arg7 : memref<!tpu.dma_semaphore, #tpu.memory_space<semaphore_mem>>) src(%dma_wait3A_6 : memref<1000000x128xf32, #tpu.memory_space<hbm>>) dst(%arg6 : memref<512x128xf32, #tpu.memory_space<vmem>>)
    %scan3A = arith.constant 0 : i32
    %scan3A_7 = arith.constant 0 : i32
    %scan3A_8 = arith.constant 512 : i32
    %scan3A_9 = arith.addi %scan3A_7, %scan3A_8 : i32
    %scan3A_10 = arith.constant 1 : i32
    %scan3A_11 = scf.for %scan3A_13 = %scan3A_7 to %scan3A_9 step %scan3A_10 iter_args(%scan3A_14 = %scan3A) -> (i32)  : i32 {
      %get3A = arith.index_cast %scan3A_13 : i32 to index
      %get3A_15 = arith.constant 0 : index
      %get3A_16 = tpu.vector_load %arg6[%get3A, %get3A_15] {strides = array<i32>} : memref<512x128xf32, #tpu.memory_space<vmem>>, vector<1x16xf32>,
      %get3A_17 = vector.shape_cast %get3A_16 : vector<1x16xf32> to vector<16xf32>
      %mul3A_18 = arith.constant 0.0883883461 : f32
      %mul3A_19 = vector.broadcast %mul3A_18 : f32 to vector<16xf32>
      %mul3A_20 = arith.mulf %get3A_17, %mul3A_19 : vector<16xf32>
      %swap3A = arith.index_cast %scan3A_13 : i32 to index
      %swap3A_21 = arith.constant 0 : index
      %swap3A_22 = tpu.vector_load %arg6[%swap3A, %swap3A_21] {strides = array<i32>} : memref<512x128xf32, #tpu.memory_space<vmem>>, vector<1x16xf32>,
      %swap3A_23 = vector.shape_cast %swap3A_22 : vector<1x16xf32> to vector<16xf32>
      %swap3A_24 = vector.shape_cast %mul3A_20 : vector<16xf32> to vector<1x16xf32>
      tpu.vector_store %arg6[%swap3A, %swap3A_21], %swap3A_24 {strides = array<i32>} : memref<512x128xf32, #tpu.memory_space<vmem>>, vector<1x16xf32>,
      %get3A_25 = arith.index_cast %scan3A_13 : i32 to index
      %get3A_26 = arith.constant 16 : index
      %get3A_27 = tpu.vector_load %arg6[%get3A_25, %get3A_26] {strides = array<i32>} : memref<512x128xf32, #tpu.memory_space<vmem>>, vector<1x16xf32>,
      %get3A_28 = vector.shape_cast %get3A_27 : vector<1x16xf32> to vector<16xf32>
      %mul3A_29 = arith.constant 0.0883883461 : f32
      %mul3A_30 = vector.broadcast %mul3A_29 : f32 to vector<16xf32>
      %mul3A_31 = arith.mulf %get3A_28, %mul3A_30 : vector<16xf32>
      %swap3A_32 = arith.index_cast %scan3A_13 : i32 to index
      %swap3A_33 = arith.constant 16 : index
      %swap3A_34 = tpu.vector_load %arg6[%swap3A_32, %swap3A_33] {strides = array<i32>} : memref<512x128xf32, #tpu.memory_space<vmem>>, vector<1x16xf32>,
      %swap3A_35 = vector.shape_cast %swap3A_34 : vector<1x16xf32> to vector<16xf32>
      %swap3A_36 = vector.shape_cast %mul3A_31 : vector<16xf32> to vector<1x16xf32>
      tpu.vector_store %arg6[%swap3A_32, %swap3A_33], %swap3A_36 {strides = array<i32>} : memref<512x128xf32, #tpu.memory_space<vmem>>, vector<1x16xf32>,
      %get3A_37 = arith.index_cast %scan3A_13 : i32 to index
      %get3A_38 = arith.constant 32 : index
      %get3A_39 = tpu.vector_load %arg6[%get3A_37, %get3A_38] {strides = array<i32>} : memref<512x128xf32, #tpu.memory_space<vmem>>, vector<1x16xf32>,
      %get3A_40 = vector.shape_cast %get3A_39 : vector<1x16xf32> to vector<16xf32>
      %mul3A_41 = arith.constant 0.0883883461 : f32
      %mul3A_42 = vector.broadcast %mul3A_41 : f32 to vector<16xf32>
      %mul3A_43 = arith.mulf %get3A_40, %mul3A_42 : vector<16xf32>
      %swap3A_44 = arith.index_cast %scan3A_13 : i32 to index
      %swap3A_45 = arith.constant 32 : index
      %swap3A_46 = tpu.vector_load %arg6[%swap3A_44, %swap3A_45] {strides = array<i32>} : memref<512x128xf32, #tpu.memory_space<vmem>>, vector<1x16xf32>,
      %swap3A_47 = vector.shape_cast %swap3A_46 : vector<1x16xf32> to vector<16xf32>
      %swap3A_48 = vector.shape_cast %mul3A_43 : vector<16xf32> to vector<1x16xf32>
      tpu.vector_store %arg6[%swap3A_44, %swap3A_45], %swap3A_48 {strides = array<i32>} : memref<512x128xf32, #tpu.memory_space<vmem>>, vector<1x16xf32>,
      %get3A_49 = arith.index_cast %scan3A_13 : i32 to index
      %get3A_50 = arith.constant 48 : index
      %get3A_51 = tpu.vector_load %arg6[%get3A_49, %get3A_50] {strides = array<i32>} : memref<512x128xf32, #tpu.memory_space<vmem>>, vector<1x16xf32>,
      %get3A_52 = vector.shape_cast %get3A_51 : vector<1x16xf32> to vector<16xf32>
      %mul3A_53 = arith.constant 0.0883883461 : f32
      %mul3A_54 = vector.broadcast %mul3A_53 : f32 to vector<16xf32>
      %mul3A_55 = arith.mulf %get3A_52, %mul3A_54 : vector<16xf32>
      %swap3A_56 = arith.index_cast %scan3A_13 : i32 to index
      %swap3A_57 = arith.constant 48 : index
      %swap3A_58 = tpu.vector_load %arg6[%swap3A_56, %swap3A_57] {strides = array<i32>} : memref<512x128xf32, #tpu.memory_space<vmem>>, vector<1x16xf32>,
      %swap3A_59 = vector.shape_cast %swap3A_58 : vector<1x16xf32> to vector<16xf32>
      %swap3A_60 = vector.shape_cast %mul3A_55 : vector<16xf32> to vector<1x16xf32>
      tpu.vector_store %arg6[%swap3A_56, %swap3A_57], %swap3A_60 {strides = array<i32>} : memref<512x128xf32, #tpu.memory_space<vmem>>, vector<1x16xf32>,
      %get3A_61 = arith.index_cast %scan3A_13 : i32 to index
      %get3A_62 = arith.constant 64 : index
      %get3A_63 = tpu.vector_load %arg6[%get3A_61, %get3A_62] {strides = array<i32>} : memref<512x128xf32, #tpu.memory_space<vmem>>, vector<1x16xf32>,
      %get3A_64 = vector.shape_cast %get3A_63 : vector<1x16xf32> to vector<16xf32>
      %mul3A_65 = arith.constant 0.0883883461 : f32
      %mul3A_66 = vector.broadcast %mul3A_65 : f32 to vector<16xf32>
      %mul3A_67 = arith.mulf %get3A_64, %mul3A_66 : vector<16xf32>
      %swap3A_68 = arith.index_cast %scan3A_13 : i32 to index
      %swap3A_69 = arith.constant 64 : index
      %swap3A_70 = tpu.vector_load %arg6[%swap3A_68, %swap3A_69] {strides = array<i32>} : memref<512x128xf32, #tpu.memory_space<vmem>>, vector<1x16xf32>,
      %swap3A_71 = vector.shape_cast %swap3A_70 : vector<1x16xf32> to vector<16xf32>
      %swap3A_72 = vector.shape_cast %mul3A_67 : vector<16xf32> to vector<1x16xf32>
      tpu.vector_store %arg6[%swap3A_68, %swap3A_69], %swap3A_72 {strides = array<i32>} : memref<512x128xf32, #tpu.memory_space<vmem>>, vector<1x16xf32>,
      %get3A_73 = arith.index_cast %scan3A_13 : i32 to index
      %get3A_74 = arith.constant 80 : index
      %get3A_75 = tpu.vector_load %arg6[%get3A_73, %get3A_74] {strides = array<i32>} : memref<512x128xf32, #tpu.memory_space<vmem>>, vector<1x16xf32>,
      %get3A_76 = vector.shape_cast %get3A_75 : vector<1x16xf32> to vector<16xf32>
      %mul3A_77 = arith.constant 0.0883883461 : f32
      %mul3A_78 = vector.broadcast %mul3A_77 : f32 to vector<16xf32>
      %mul3A_79 = arith.mulf %get3A_76, %mul3A_78 : vector<16xf32>
      %swap3A_80 = arith.index_cast %scan3A_13 : i32 to index
      %swap3A_81 = arith.constant 80 : index
      %swap3A_82 = tpu.vector_load %arg6[%swap3A_80, %swap3A_81] {strides = array<i32>} : memref<512x128xf32, #tpu.memory_space<vmem>>, vector<1x16xf32>,
      %swap3A_83 = vector.shape_cast %swap3A_82 : vector<1x16xf32> to vector<16xf32>
      %swap3A_84 = vector.shape_cast %mul3A_79 : vector<16xf32> to vector<1x16xf32>
      tpu.vector_store %arg6[%swap3A_80, %swap3A_81], %swap3A_84 {strides = array<i32>} : memref<512x128xf32, #tpu.memory_space<vmem>>, vector<1x16xf32>,
      %get3A_85 = arith.index_cast %scan3A_13 : i32 to index
      %get3A_86 = arith.constant 96 : index
      %get3A_87 = tpu.vector_load %arg6[%get3A_85, %get3A_86] {strides = array<i32>} : memref<512x128xf32, #tpu.memory_space<vmem>>, vector<1x16xf32>,
      %get3A_88 = vector.shape_cast %get3A_87 : vector<1x16xf32> to vector<16xf32>
      %mul3A_89 = arith.constant 0.0883883461 : f32
      %mul3A_90 = vector.broadcast %mul3A_89 : f32 to vector<16xf32>
      %mul3A_91 = arith.mulf %get3A_88, %mul3A_90 : vector<16xf32>
      %swap3A_92 = arith.index_cast %scan3A_13 : i32 to index
      %swap3A_93 = arith.constant 96 : index
      %swap3A_94 = tpu.vector_load %arg6[%swap3A_92, %swap3A_93] {strides = array<i32>} : memref<512x128xf32, #tpu.memory_space<vmem>>, vector<1x16xf32>,
      %swap3A_95 = vector.shape_cast %swap3A_94 : vector<1x16xf32> to vector<16xf32>
      %swap3A_96 = vector.shape_cast %mul3A_91 : vector<16xf32> to vector<1x16xf32>
      tpu.vector_store %arg6[%swap3A_92, %swap3A_93], %swap3A_96 {strides = array<i32>} : memref<512x128xf32, #tpu.memory_space<vmem>>, vector<1x16xf32>,
      %get3A_97 = arith.index_cast %scan3A_13 : i32 to index
      %get3A_98 = arith.constant 112 : index
      %get3A_99 = tpu.vector_load %arg6[%get3A_97, %get3A_98] {strides = array<i32>} : memref<512x128xf32, #tpu.memory_space<vmem>>, vector<1x16xf32>,
      %get3A_100 = vector.shape_cast %get3A_99 : vector<1x16xf32> to vector<16xf32>
      %mul3A_101 = arith.constant 0.0883883461 : f32
      %mul3A_102 = vector.broadcast %mul3A_101 : f32 to vector<16xf32>
      %mul3A_103 = arith.mulf %get3A_100, %mul3A_102 : vector<16xf32>
      %swap3A_104 = arith.index_cast %scan3A_13 : i32 to index
      %swap3A_105 = arith.constant 112 : index
      %swap3A_106 = tpu.vector_load %arg6[%swap3A_104, %swap3A_105] {strides = array<i32>} : memref<512x128xf32, #tpu.memory_space<vmem>>, vector<1x16xf32>,
      %swap3A_107 = vector.shape_cast %swap3A_106 : vector<1x16xf32> to vector<16xf32>
      %swap3A_108 = vector.shape_cast %mul3A_103 : vector<16xf32> to vector<1x16xf32>
      tpu.vector_store %arg6[%swap3A_104, %swap3A_105], %swap3A_108 {strides = array<i32>} : memref<512x128xf32, #tpu.memory_space<vmem>>, vector<1x16xf32>,
      %scan3A_109 = arith.constant 0 : i32
      scf.yield %scan3A_109 : i32
    }
    %scan3A_12 = arith.constant 512 : i32
    "tpu.region"() ({
      %run_scoped3A = tpu.sem_alloc : memref<!tpu.dma_semaphore, #tpu.memory_space<semaphore_mem>>
      %dma_start3A_13 = arith.constant 0 : i32
      %dma_start3A_14 = tpu.memref_slice %arg4[%mul3A_2, %dma_start3A_13] : memref<16384x128xf32, #tpu.memory_space<hbm>> -> memref<512x128xf32, #tpu.memory_space<hbm>>
      %dma_start3A_15 = arith.constant 0 : i32
      %dma_start3A_16 = tpu.memref_slice %arg4[%mul3A_2, %dma_start3A_15] : memref<16384x128xf32, #tpu.memory_space<hbm>> -> memref<512x128xf32, #tpu.memory_space<hbm>>
      tpu.enqueue_dma source(%arg6 : memref<512x128xf32, #tpu.memory_space<vmem>>) target(%dma_start3A_16 : memref<512x128xf32, #tpu.memory_space<hbm>>) target_semaphore(%run_scoped3A : memref<!tpu.dma_semaphore, #tpu.memory_space<semaphore_mem>>)
      %dma_wait3A_17 = arith.constant 0 : i32
      %dma_wait3A_18 = tpu.memref_slice %arg4[%mul3A_2, %dma_wait3A_17] : memref<16384x128xf32, #tpu.memory_space<hbm>> -> memref<512x128xf32, #tpu.memory_space<hbm>>
      %dma_wait3A_19 = arith.constant 0 : i32
      %dma_wait3A_20 = tpu.memref_slice %arg4[%mul3A_2, %dma_wait3A_19] : memref<16384x128xf32, #tpu.memory_space<hbm>> -> memref<512x128xf32, #tpu.memory_space<hbm>>
      tpu.wait_dma2 semaphore(%run_scoped3A : memref<!tpu.dma_semaphore, #tpu.memory_space<semaphore_mem>>) src(%arg6 : memref<512x128xf32, #tpu.memory_space<vmem>>) dst(%dma_wait3A_20 : memref<512x128xf32, #tpu.memory_space<hbm>>)
      tpu.yield
    }) : () -> ()
    return
  }
}

</mosaic_0001>

<sc_bundles>
// kernel: kernel.3.cloned.1.call-start
scs
__scs_entry_jumppad:
0x0: {  	(pc) =	sbr.rel $0x88, $3  }
0x1: {  	(tag) =	ssettag $0x0;
	lr =	simm.s32 $0x1  }
0x2: {  	[smem:$0x3F9F] =	sst lr;
	_ =	strace $0xD0000000  }
0x3: {  	_ = 	snop  }
0x4: {  	_ = 	snop  }
0x5: {  	_ = 	snop  }
0x6: {  	_ = 	snop  }
0x7: {  	_ = 	snop  }
__scs_overlays_trampoline_lowered:
0x8: {  	[smem:$0x3FAE] =	sst s0  }
0x9: {  	[smem:$0x3FAF] =	sst s1  }
0xa: {  	[smem:$0x3FB0] =	sst s2  }
0xb: {  	[smem:$0x3FB1] =	sst s3  }
0xc: {  	[smem:$0x3FB2] =	sst s4  }
0xd: {  	[smem:$0x3FB3] =	sst s5  }
0xe: {  	[smem:$0x3FB4] =	sst s6  }
0xf: {  	[smem:$0x3FB5] =	sst s7  }
0x10: {  	[smem:$0x3FB6] =	sst s8  }
0x11: {  	[smem:$0x3FB7] =	sst s9;
	s0 =	simm.s32 @!p0 $0x0  }
0x12: {  	s1 =	sld [smem:$0x3F9D];
	s0 =	simm.s32 @p0 $0x1  }
0x13: {  	[smem:$0x3FB8] =	sst s0;
	s0 =	simm.s32 @!p1 $0x0  }
0x14: {  	s2 =	sld [smem:$0x3F9C];
	s0 =	simm.s32 @p1 $0x1  }
0x15: {  	[smem:$0x3FB9] =	sst s0;
	s0 =	simm.s32 @!p2 $0x0  }
0x16: {  	s3 =	sld [smem:$0x3FDB];
	s0 =	simm.s32 @p2 $0x1  }
0x17: {  	s4 =	simm.s32 $0x1BF5;
	[smem:$0x3FBB] =	sst s0  }
0x18: {  	s0 =	sld [smem:$0x3F9E];
	_ =	swait.ge [sflag:s4], $0x0  }
0x19: {  	s7 =	sld [smem:$0x3F9F]  }
0x1a: {  	s8 =	sadd.s32 $0xFFFFE003, lr  }
0x1b: {  	s9 =	sadd.s32 $0xFFFFFEF7, lr;
	s5 =	simm.s32 $0xFFFFFFFF;
	p2 =	slt.u32 s8, $0xFFFFF086  }
0x1c: {  	p1 =	slt.u32 s9, $0xF7A;
	s5 =	simm.s32 @!p2 $0x0  }
0x1d: {  	s5 =	simm.s32 @p1 $0x1;
	p0 =	seq.s32 s7, s2  }
0x1e: {  	s7 =	smul.u32 @!p0 $0xF7A, s2;
	p2 =	seq.s32 @!p0 s5, $0x0  }
0x1f: {  	s9 =	smul.u32 $0xF7A, s1;
	s8 =	simm.s32 @!p0 $0x1BF5;
	p2 =	por !p2, p0  }
0x20: {  	[sflag:s8] =	ssyncset.s32 @!p0 $0xFFFFF086;
	s6 =	sadd.s32 @!p0 s3, s7;
	s7 =	simm.s32 @!p0 $0x108  }
0x21: {  	s3 =	sadd.s32 s3, s9;
	s6 =	sadd.s32 @!p0 $0x88, s6;
	s7 =	simm.s32 @p2 $0x1082  }
0x22: {  	[simem:s7], [sflag:s8] =	dma.local @!p0 [hbm:s6], $0xF7A  }
0x23: {  	s9 =	sor.u32 $0xD0000000, s2;
	s6 =	simm.s32 $0x108;
	_ =	swait.ge @!p0 [sflag:s8], $0x0  }
0x24: {  	s3 =	sadd.s32 $0x88, s3;
	s6 =	simm.s32 @!p1 $0x1082;
	[sflag:s4] =	ssyncset.s32 $0xFFFFF086  }
0x25: {  	[simem:s6], [sflag:s4] =	dma.local [hbm:s3], $0xF7A  }
0x26: {  	[smem:$0x3F9F] =	sst s1;
	(tag) =	ssettag s2;
	_ =	strace s9  }
0x27: {  	s1 =	sld [smem:$0x3FAF]  }
0x28: {  	s2 =	sld [smem:$0x3FB0]  }
0x29: {  	s4 =	sld [smem:$0x3FB2]  }
0x2a: {  	p0 =	seq.s32 s5, $0x0;
	s5 =	sld [smem:$0x3FB3]  }
0x2b: {  	s6 =	sld [smem:$0x3FB4]  }
0x2c: {  	s7 =	sld [smem:$0x3FB5]  }
0x2d: {  	s3 =	simm.s32 $0x108;
	s8 =	sld [smem:$0x3FB6]  }
0x2e: {  	s3 =	simm.s32 @!p0 $0x1082;
	s9 =	sld [smem:$0x3FB7]  }
0x2f: {  	lr =	sadd.s32 s0, s3;
	s0 =	sld [smem:$0x3FAE]  }
0x30: {  	s3 =	sld [smem:$0x3FB1]  }
0x31: {  	[smem:$0x3FBA] =	sst s10  }
0x32: {  	s10 =	sld [smem:$0x3FB8];
	_ =	sdelay $0x3  }
0x33: {  	p0 =	seq.s32 s10, $0x1;
	s10 =	sld [smem:$0x3FBA];
	_ =	sdelay $0x3  }
0x34: {  	[smem:$0x3FBA] =	sst s10  }
0x35: {  	s10 =	sld [smem:$0x3FB9];
	_ =	sdelay $0x3  }
0x36: {  	p1 =	seq.s32 s10, $0x1;
	s10 =	sld [smem:$0x3FBA];
	_ =	sdelay $0x3  }
0x37: {  	[smem:$0x3FBA] =	sst s10  }
0x38: {  	s10 =	sld [smem:$0x3FBB]  }
0x39: {  	_ = 	snop;
	(pc) =	sbr.ind lr, $3  }
0x3a: {  	_ = 	snop  }
0x3b: {  	_ = 	snop  }
0x3c: {  	p2 =	seq.s32 s10, $0x1;
	s10 =	sld [smem:$0x3FBA]  }
0x3d: {  	_ =	shalt  }
0x3e: {  	_ =	shalt  }
0x3f: {  	_ =	shalt  }
0x40: {  	_ =	shalt  }
0x41: {  	_ =	shalt  }
0x42: {  	_ =	shalt  }
0x43: {  	_ =	shalt  }
0x44: {  	_ =	shalt  }
0x45: {  	_ =	shalt  }
0x46: {  	_ =	shalt  }
0x47: {  	_ =	shalt  }
0x48: {  	_ =	shalt  }
0x49: {  	_ =	shalt  }
0x4a: {  	_ =	shalt  }
0x4b: {  	_ =	shalt  }
0x4c: {  	_ =	shalt  }
0x4d: {  	_ =	shalt  }
0x4e: {  	_ =	shalt  }
0x4f: {  	_ =	shalt  }
0x50: {  	_ =	shalt  }
0x51: {  	_ =	shalt  }
0x52: {  	_ =	shalt  }
0x53: {  	_ =	shalt  }
0x54: {  	_ =	shalt  }
0x55: {  	_ =	shalt  }
0x56: {  	_ =	shalt  }
0x57: {  	_ =	shalt  }
0x58: {  	_ =	shalt  }
0x59: {  	_ =	shalt  }
0x5a: {  	_ =	shalt  }
0x5b: {  	_ =	shalt  }
0x5c: {  	_ =	shalt  }
0x5d: {  	_ =	shalt  }
0x5e: {  	_ =	shalt  }
0x5f: {  	_ =	shalt  }
0x60: {  	_ =	shalt  }
0x61: {  	_ =	shalt  }
0x62: {  	_ =	shalt  }
0x63: {  	_ =	shalt  }
0x64: {  	_ =	shalt  }
0x65: {  	_ =	shalt  }
0x66: {  	_ =	shalt  }
0x67: {  	_ =	shalt  }
0x68: {  	_ =	shalt  }
0x69: {  	_ =	shalt  }
0x6a: {  	_ =	shalt  }
0x6b: {  	_ =	shalt  }
0x6c: {  	_ =	shalt  }
0x6d: {  	_ =	shalt  }
0x6e: {  	_ =	shalt  }
0x6f: {  	_ =	shalt  }
0x70: {  	_ =	shalt  }
0x71: {  	_ =	shalt  }
0x72: {  	_ =	shalt  }
0x73: {  	_ =	shalt  }
0x74: {  	_ =	shalt  }
0x75: {  	_ =	shalt  }
0x76: {  	_ =	shalt  }
0x77: {  	_ =	shalt  }
0x78: {  	_ =	shalt  }
0x79: {  	_ =	shalt  }
0x7a: {  	_ =	shalt  }
0x7b: {  	_ =	shalt  }
0x7c: {  	_ =	shalt  }
0x7d: {  	_ =	shalt  }
0x7e: {  	_ =	shalt  }
0x7f: {  	_ =	shalt  }
0x80: {  	_ =	shalt  }
0x81: {  	_ =	shalt  }
0x82: {  	_ =	shalt  }
0x83: {  	_ =	shalt  }
0x84: {  	_ =	shalt  }
0x85: {  	_ =	shalt  }
0x86: {  	_ =	shalt  }
0x87: {  	_ =	shalt  }
.Lfunc_end0:
.L_simem_size_0:
called_computation_lowered:
.L_overlay_start_0:
0x88: {  	s2 =	sld [smem:$0x3FD9]  }
0x89: {  	s3 =	sld [smem:$0x3FFE];
	_ =	sdelay $0x1  }
0x8a: {  	s1 =	srdreg.scid  }
0x8b: {  	s0 =	sand.u32 $0x1, s1  }
0x8c: {  	s17 =	sshll.u32 s0, $0xA;
	s2 =	sadd.s32 s3, s2  }
0x8d: {  	s2 =	sadd.s32 s2, s17  }
0x8e: {  	[smem:$0x3FC6] =	sst s2  }
0x8f: {  	_ = 	snop  }
0x90: {  	s2 =	sld [smem:$0x3FC8]  }
0x91: {  	s18 =	sld [smem:$0x3FD0];
	(tm) =	ssettm $0x1  }
0x92: {  	s4 =	sld [smem:$0x3FFB];
	_ =	sdelay $0x3  }
0x93: {  	_ =	strace s4  }
0x94: {  	s4 =	sld [smem:$0x3FFC];
	_ =	sdelay $0x3  }
0x95: {  	_ =	strace s4  }
0x96: {  	s4 =	sld [smem:$0x3FFD];
	_ =	sdelay $0x3  }
0x97: {  	_ =	strace s4  }
0x98: {  	_ =	strace $0x8FFFFFFF  }
0x99: {  	s19 =	sld [smem:$0x3FDB];
	_ =	sdelay $0x1  }
0x9a: {  	s5 =	simm.s32 $_scs_section_size  }
0x9b: {  	s6 =	simm.s32 $_size__tile_overlayer_lowered;
	s7 =	simm.s32 $_tile_overlayer_lowered  }
0x9c: {  	s22 =	simm.s32 $0x1BFF;
	s21 =	sshll.u32 s7, $0x1;
	s4 =	sadd.s32 s5, s19  }
0x9d: {  	s8 =	simm.s32 $0x0;
	s20 =	sshll.u32 s6, $0x1;
	s6 =	sadd.s32 s21, s4  }
0x9e: {  	[timem:s8], [sflag:s22] =	dma.local [hbm:s6], s20  }
0x9f: {  	_ =	swait.ge [sflag:s22], s20  }
0xa0: {  	s5 =	ssub.s32 $0x0, s20;
	[sflag:s22] =	ssyncset.done $0x0  }
0xa1: {  	[sflag:s22] =	ssyncadd.s32 s5;
	_ =	sdelay $0x1  }
0xa2: {  	s23 =	simm.s32 $0x1B8B  }
0xa3: {  	_ =	swait.ge [sflag:s23], $0x1  }
0xa4: {  	[sflag:s23] =	ssyncset.done $0x0  }
0xa5: {  	s25 =	simm.s32 $0x1B8E;
	s24 =	sld [smem:$0x3FFE];
	[sflag:s23] =	ssyncadd.s32 $0xFFFFFFFF  }
0xa6: {  	s26 =	simm.s32 $execute0_lowered;
	[smem:$0x3FD2] =	sst s25  }
0xa7: {  	s6 =	sshll.u32 s26, $0x1;
	_ =	strace $0x80000046;
	[dreg:$0x1] =	wrdreg $0xFFFFFFFF  }
0xa8: {  	s28 =	simm.s32 $_size_execute0_lowered;
	s4 =	sadd.s32 s4, s6;
	[dreg:$0x0] =	wrdreg $0x0  }
0xa9: {  	s6 =	sshll.u32 s28, $0x1;
	[dreg:$0x2] =	wrdreg s4  }
0xaa: {  	[dreg:$0x3] =	wrdreg s6  }
0xab: {  	[dreg:$0x4] =	wrdreg $0xC0  }
0xac: {  	_ =	task [dreg:s8], $0x5FFFF  }
0xad: {  	[dreg:$0x1] =	wrdreg $0xFFFFFFFF  }
0xae: {  	[dreg:$0x0] =	wrdreg $0x60  }
0xaf: {  	[dreg:$0x2] =	wrdreg s2  }
0xb0: {  	[dreg:$0x3] =	wrdreg s24  }
0xb1: {  	[dreg:$0x4] =	wrdreg s18  }
0xb2: {  	[dreg:$0x5] =	wrdreg $0x9  }
0xb3: {  	_ =	task.clear_ibuf [dreg:s8], $0x6FFFF;
	_ =	strace $0x90000046  }
0xb4: {  	s29 =	simm.s32 $0x9;
	_ =	strace $0x80000048  }
0xb5: {  	_ =	swait.ge [sflag:s29], $0x1  }
0xb6: {  	[sflag:s29] =	ssyncadd.s32 $0xFFFFFFFF  }
0xb7: {  	_ =	strace $0x90000048  }
0xb8: {  	_ =	sfence  }
0xb9: {  	s30 =	sld [smem:$0x0];
	_ =	sdelay $0x2  }
0xba: {  	s31 =	sshll.u32 s1, $0xD;
	s1 =	sshrl.u32 s1, $0x2  }
0xbb: {  	s3 =	sand.u32 $0x4000, s31;
	s1 =	sadd.s32 s1, s30  }
0xbc: {  	s0 =	sor.u32 s3, s0;
	s1 =	sshll.u32 s1, $0x11  }
0xbd: {  	s0 =	sor.u32 s1, s0  }
0xbe: {  	s0 =	sadd.s32 $0x8F2B, s0  }
0xbf: {  	[sflag:s0] =	ssyncadd.remote.s32 $0x1  }
0xc0: {  	_ =	sfence.sel $0xFFFF  }
0xc1: {  	[dreg:$0x0] =	wrdreg $0xFFFFFFFF;
	(pc) =	sbr.abs _section_cstart, $3  }
0xc2: {  	[dreg:$0x1] =	wrdreg $0xFFFFFFFF  }
0xc3: {  	_ =	task.clear_ibuf [dreg:s8], $0x2FFFF;
	_ =	strace $0x9FFFFFFF  }
0xc4: {  	(tm) =	ssettm $0x7FFFFFFF  }
0xc5: {  	_ =	shalt  }
tec
execute0_lowered:
.L_overlay_start_1:
0x0: {  	(tag) =	ssettag $0x1  }
0x1: {  	s1 =	rddreg [dreg:$0x0]  }
0x2: {  	s2 =	srdreg.scid;
	s4 =	rddreg [dreg:$0x1]  }
0x3: {  	s0 =	stileid.u32;
	s6 =	rddreg [dreg:$0x2]  }
0x4: {  	s3 =	simm.s32 $0x0;
	s9 =	simm.s32 $0x1;
	s10 =	simm.s32 $0x0  }
0x5: {  	s5 =	sand.u32 $0x1, s2;
	s7 =	sshll.u32 s0, $0xA;
	s2 =	rddreg [dreg:$0x3]  }
0x6: {  	[smem:$0x7FF] =	sst s3;
	s8 =	sshll.u32 s5, $0x9;
	s5 =	ssub.s32 $0x2, s5  }
0x7: {  	_ =	strace $0x80000047;
	s7 =	sor.u32 s8, s7;
	s30 =	sshrl.u32 s5, $0x1  }
0x8: {  	s8 =	sshrl.u32 s7, $0x3;
	s31 =	sshll.u32 s7, $0x4;
	s7 =	simm.s32 $0x2  }
0x9: {  	s4 =	sadd.s32 s8, s4;
	s8 =	ssub.s32 s5, s30;
	s5 =	sadd.s32 s6, s31  }
0xa: {  	s4 =	sadd.s32 $0x400, s4;
	s6 =	smax.u32 s8, $0x1;
	s8 =	simm.s32 $0x200  }
.LBB2_1:
0xb: {  	[tilespmem:s3], [sflag:$0x2] =	stream.linear.gather [hbm4b:s4+s3], $0x200, $0x38;
	[tilespmem:$0x10200] =	vst v63  }
0xc: {  	_ =	swait.ge [sflag:s7], $0x200  }
0xd: {  	[sflag:s7] =	ssyncset.done $0x0  }
0xe: {  	[sflag:s7] =	ssyncadd.s32 $0xFFFFFE00  }
0xf: {  	[tilespmem:s8], [sflag:$0x1] =	stream.indirect.gather [hbm4b:s1+s8], $0x80, s3, s8, $0xb8;
	[tilespmem:$0x10200] =	vst v63  }
0x10: {  	_ =	swait.ge [sflag:s9], $0x10000  }
0x11: {  	[sflag:s9] =	ssyncset.done $0x0  }
0x12: {  	s11 =	simm.s32 $0x0;
	[sflag:s9] =	ssyncadd.s32 $0xFFFF0000  }
0x13: {  	v3 =	vld [tilespmem:s11+$0x200]  }
0x14: {  	v5 =	vld [tilespmem:s11+$0x210]  }
0x15: {  	v4 =	vld [tilespmem:s11+$0x220]  }
0x16: {  	v2 =	vld [tilespmem:s11+$0x230]  }
0x17: {  	v0 =	vld [tilespmem:s11+$0x240]  }
0x18: {  	v1 =	vld [tilespmem:s11+$0x250];
	v6 =	vmul.f32 $8.838834610e-02, v3  }
0x19: {  	s12 =	simm.s32 $0x200;
	v5 =	vmul.f32 $8.838834610e-02, v5;
	v3 =	vld [tilespmem:s11+$0x260]  }
.LBB2_2:
0x1a: {  	s13 =	sshra.s32 s12, $0x2;
	p0 =	sne.s32 s12, $0x3FE00;
	[tilespmem:s11+$0x200] =	vst v6;
	v4 =	vmul.f32 $8.838834610e-02, v4;
	v6 =	vld [tilespmem:s11+$0x270]  }
0x1b: {  	v7 =	vld [tilespmem:s13+$0x200];
	[tilespmem:s11+$0x210] =	vst v5;
	v2 =	vmul.f32 $8.838834610e-02, v2  }
0x1c: {  	v5 =	vld [tilespmem:s13+$0x210];
	[tilespmem:s11+$0x220] =	vst v4;
	v0 =	vmul.f32 $8.838834610e-02, v0  }
.Ltmp0:
0x1d: {  	v4 =	vld [tilespmem:s13+$0x220];
	[tilespmem:s11+$0x230] =	vst v2;
	v1 =	vmul.f32 $8.838834610e-02, v1;
	(pc) =	sbr.rel @p0 .LBB2_2-.Ltmp0, $4  }
0x1e: {  	v2 =	vld [tilespmem:s13+$0x230];
	[tilespmem:s11+$0x240] =	vst v0;
	v3 =	vmul.f32 $8.838834610e-02, v3  }
0x1f: {  	v0 =	vld [tilespmem:s13+$0x240];
	[tilespmem:s11+$0x250] =	vst v1;
	v8 =	vmul.f32 $8.838834610e-02, v6  }
0x20: {  	v6 =	vmul.f32 $8.838834610e-02, v7;
	v1 =	vld [tilespmem:s13+$0x250];
	[tilespmem:s11+$0x260] =	vst v3  }
0x21: {  	s12 =	sadd.s32 $0x200, s12;
	v5 =	vmul.f32 $8.838834610e-02, v5;
	v3 =	vld [tilespmem:s13+$0x260];
	[tilespmem:s11+$0x270] =	vst v8;
	s11 =	smov.u32 s13  }
0x22: {  	[tilespmem:s11+$0x200] =	vst v6;
	v4 =	vmul.f32 $8.838834610e-02, v4;
	v61 =	vld [tilespmem:s11+$0x270]  }
0x23: {  	[tilespmem:s11+$0x210] =	vst v5;
	v2 =	vmul.f32 $8.838834610e-02, v2  }
0x24: {  	[tilespmem:s11+$0x220] =	vst v4;
	v0 =	vmul.f32 $8.838834610e-02, v0  }
0x25: {  	[tilespmem:s11+$0x230] =	vst v2;
	v1 =	vmul.f32 $8.838834610e-02, v1  }
0x26: {  	[tilespmem:s11+$0x240] =	vst v0;
	v62 =	vmul.f32 $8.838834610e-02, v3  }
0x27: {  	s10 =	sadd.s32 $0x1, s10;
	[tilespmem:s11+$0x250] =	vst v1;
	v63 =	vmul.f32 $8.838834610e-02, v61  }
0x28: {  	p0 =	sne.s32 s10, s6;
	[tilespmem:s11+$0x260] =	vst v62  }
.Ltmp1:
0x29: {  	[tilespmem:s11+$0x270] =	vst v63;
	(pc) =	sbr.rel @p0 .LBB2_1-.Ltmp1, $4  }
0x2a: {  	[hbm4b:s5+s3] =	stream.linear.scatter [tilespmem:s8], [sflag:$0x2], $0x10000, $0x38;
	[tilespmem:$0x10200] =	vst v63  }
0x2b: {  	_ =	swait.ge [sflag:s7], $0x10000  }
0x2c: {  	[sflag:s7] =	ssyncset.done $0x0  }
0x2d: {  	[sflag:s7] =	ssyncadd.s32 $0xFFFF0000  }
0x2e: {  	_ =	sfence.sel $0x180000  }
0x2f: {  	[bflag:$0x0] =	sbarrier.arrive $0xFFFF  }
0x30: {  	p0 =	sne.s32 s0, $0x0;
	_ =	strace $0x90000047  }
0x31: {  	s0 =	sadd.s32 @!p0 $0x100000, s2;
	[bflag:$0x2] =	sbarrier.arrive $0xFFFF  }
0x32: {  	[sflag:s0] =	ssyncadd.tile.s32 @!p0 $0x1;
	_ =	shalt  }
.Lfunc_end2:
_tile_overlayer_lowered:
.L_overlay_start_2:
0x33: {  	(tag) =	ssettag $0x2  }
0x34: {  	s0 =	rddreg [dreg:$0x0];
	s2 =	stileid.u32  }
0x35: {  	s1 =	rddreg [dreg:$0x1];
	p0 =	sne.s32 s2, $0x0  }
0x36: {  	s3 =	rddreg [dreg:$0x2];
	[bflag:$0x3] =	sbarrier.arrive $0xFFFF;
	s2 =	simm.s32 @!p0 $0x1C02  }
0x37: {  	[timem:s3], [sflag:s2] =	dma.local @!p0 [hbm:s0], s1  }
0x38: {  	s0 =	simm.s32 @!p0 $0x2  }
0x39: {  	_ =	swait.ge @!p0 [sflag:s0], s1  }
0x3a: {  	s1 =	ssub.s32 @!p0 $0x0, s1;
	[sflag:s0] =	ssyncset.done @!p0 $0x0  }
0x3b: {  	[sflag:s0] =	ssyncadd.s32 @!p0 s1  }
0x3c: {  	[bflag:$0x3] =	sbarrier.arrive $0xFFFF  }
0x3d: {  	_ =	shalt  }

</sc_bundles>
